<compile_context>
chip_gen: v7x
topology: tpu7x:2x2x1
jax: 0.10.2.dev20260603
libtpu: 0.0.44.dev20260713+nightly
codegen_flags: <defaults>
</compile_context>

<pallas_src>
import functools

import jax
import jax.numpy as jnp
from jax import lax
from jax.experimental import pallas as pl
from jax.experimental.pallas import tpu as pltpu
from jax.experimental.pallas import tpu_sc as plsc

INPUTSIZE = 2048
OUTPUTSIZE = 1024
BATCH = 2048
NCONN = 16
KTOT = 32

NW = 32
O_PER_W = OUTPUTSIZE // NW
WCHUNK = O_PER_W * INPUTSIZE


def _sc_build_wt(packed):
    mesh = plsc.VectorSubcoreMesh(core_axis_name="c", subcore_axis_name="s")

    @functools.partial(
        pl.kernel,
        mesh=mesh,
        out_type=jax.ShapeDtypeStruct((NW, O_PER_W, INPUTSIZE), jnp.float32),
        scratch_types=[
            pltpu.VMEM((O_PER_W, KTOT + NCONN), jnp.int32),
            pltpu.VMEM((O_PER_W, INPUTSIZE), jnp.float32),
            pltpu.SemaphoreType.DMA,
        ],
        compiler_params=pltpu.CompilerParams(needs_layout_passes=False),
    )
    def k(packed_hbm, wt_hbm, pk_v, wchunk, sem):
        wid = lax.axis_index("s") * 2 + lax.axis_index("c")
        obase = wid * O_PER_W
        cp_c = pltpu.async_copy(packed_hbm.at[pl.ds(obase, O_PER_W), :], pk_v, sem)

        zero = jnp.zeros((16,), jnp.float32)

        @plsc.parallel_loop(0, WCHUNK, step=16, unroll=8)
        def _zero(i):
            r = lax.shift_right_logical(i, 11)
            c = i - lax.shift_left(r, 11)
            wchunk[r, pl.ds(c, 16)] = zero

        cp_c.wait()

        lane = lax.iota(jnp.int32, 16)
        one = jnp.ones((16,), jnp.float32)
        for g in range(O_PER_W // 16):
            olocal = g * 16 + lane
            plsc.addupdate_scatter(wchunk, [olocal, obase + olocal], one)

            def sbody(kk, carry, olocal=olocal):
                kvec = jnp.full((16,), kk, jnp.int32)
                wvec = jnp.full((16,), KTOT, jnp.int32) + (kvec & (NCONN - 1))
                cv = plsc.load_gather(pk_v, [olocal, kvec])
                wv = plsc.bitcast(plsc.load_gather(pk_v, [olocal, wvec]), jnp.float32)
                plsc.addupdate_scatter(wchunk, [olocal, cv], wv)
                return carry

            lax.fori_loop(0, KTOT, sbody, 0)

        pltpu.sync_copy(wchunk, wt_hbm.at[wid])

    return k(packed)


_BM = 512


def _mm_body(xb_ref, wt_ref, b_ref, o_ref):
    acc = lax.dot_general(
        xb_ref[...], wt_ref[...],
        (((1,), (1,)), ((), ())),
        preferred_element_type=jnp.float32,
    )
    o_ref[...] = acc + b_ref[...]


def _mm(xb, wt, bias2d):
    return pl.pallas_call(
        _mm_body,
        grid=(BATCH // _BM,),
        in_specs=[
            pl.BlockSpec((_BM, INPUTSIZE), lambda i: (i, 0)),
            pl.BlockSpec((OUTPUTSIZE, INPUTSIZE), lambda i: (0, 0)),
            pl.BlockSpec((1, OUTPUTSIZE), lambda i: (0, 0)),
        ],
        out_specs=pl.BlockSpec((_BM, OUTPUTSIZE), lambda i: (i, 0)),
        out_shape=jax.ShapeDtypeStruct((BATCH, OUTPUTSIZE), jnp.float32),
    )(xb, wt, bias2d)


def kernel(x, weights, bias, conns):
    xb = x.astype(jnp.bfloat16)
    packed = jnp.concatenate(
        [conns, lax.bitcast_convert_type(weights, jnp.int32)], axis=1
    )
    wt = _sc_build_wt(packed).reshape(OUTPUTSIZE, INPUTSIZE)
    return _mm(xb, wt, bias.reshape(1, OUTPUTSIZE))

# --- scband reference (transcript-rebuilt; emitter-appended) ---
"""Pipeline reference for scband-layer-random-39341900431392 (READ-ONLY COPY).

The authoritative reference and input builder live on the scoring server;
editing this copy changes nothing except your own understanding.
"""

import jax, jax.numpy as jnp
import numpy as np

INPUTSIZE = 2048
OUTPUTSIZE = 1024
CONNECTIONS = 16
REPS = 2
B = 2048


def _resize(tensor, newsize):
    cur = tensor.shape[1]
    if newsize < cur:
        return tensor[:, 0:newsize]
    elif newsize > cur:
        multiples = (newsize + cur - 1) // cur
        tiled = jnp.tile(tensor, (1, multiples))
        if newsize < tiled.shape[1]:
            return tiled[:, 0:newsize]
        return tiled
    return tensor


def setup_inputs(seed: int = 0) -> dict:
    key = jax.random.key(seed)
    k_x, k_c, k_w, k_b = jax.random.split(key, 4)
    x = jax.random.normal(k_x, (B, INPUTSIZE), dtype=jnp.float32)
    # conns: for each output unit, connections*reps distinct random input indices != i.
    # Faithful enough approximation for benchmarking: random ints in [0, inputsize),
    # shifted by +1 mod inputsize if they collide with the unit index.
    conns = jax.random.randint(k_c, (OUTPUTSIZE, CONNECTIONS * REPS), 0, INPUTSIZE, dtype=jnp.int32)
    unit_ids = jnp.arange(OUTPUTSIZE, dtype=jnp.int32)[:, None]
    conns = jnp.where(conns == unit_ids, (conns + 1) % INPUTSIZE, conns)
    std = 1.0 / (CONNECTIONS * REPS)
    weights = jax.random.normal(k_w, (OUTPUTSIZE, CONNECTIONS), dtype=jnp.float32) * std
    bias = jax.random.normal(k_b, (OUTPUTSIZE,), dtype=jnp.float32) * std
    return {"x": x, "weights": weights, "bias": bias, "conns": conns}


def reference(x, weights, bias, conns):
    # gather: [B, outputsize, connections*reps]
    gathered_inputs = jnp.take(x, conns, axis=1)
    tiled_weights = jnp.tile(weights, (1, REPS))  # [outputsize, connections*reps]
    prod = gathered_inputs * tiled_weights[None, :, :]
    unbiased = jnp.sum(prod, axis=2)  # [B, outputsize]
    return unbiased + bias[None, :] + _resize(x, OUTPUTSIZE)

if __name__ == "__main__":
    import jax
    _d = setup_inputs()
    print(jax.jit(kernel)(*tuple(_d.values())))

</pallas_src>

<mosaic_0001>
#map = affine_map<(d0, d1) -> (0, 0)>
#map1 = affine_map<(d0, d1) -> (0, 0, 0)>
module attributes {stable_mosaic.version = 14 : i64} {
  func.func @k(%arg0: i32, %arg1: i32, %arg2: memref<1024x48xi32, #tpu.memory_space<hbm>>, %arg3: memref<32x32x2048xf32, #tpu.memory_space<hbm>>, %arg4: memref<32x48xi32, #tpu.memory_space<vmem>>, %arg5: memref<32x2048xf32, #tpu.memory_space<vmem>>, %arg6: memref<!tpu.dma_semaphore, #tpu.memory_space<semaphore_mem>>) attributes {dimension_semantics = [#tpu.dimension_semantics<core_parallel>, #tpu.dimension_semantics<subcore_parallel>], iteration_bounds = array<i64: 2, 16>, scalar_prefetch = 0 : i64, scratch_operands = 3 : i64, tpu.core_type = #tpu.core_type<sc_vector_subcore>, window_params = [{transform_indices = #map}, {transform_indices = #map1}]} {
    %mul3A = arith.constant 2 : i32
    %mul3A_0 = arith.muli %arg1, %mul3A : i32
    %add3A = arith.addi %mul3A_0, %arg0 : i32
    %mul3A_1 = arith.constant 32 : i32
    %mul3A_2 = arith.muli %add3A, %mul3A_1 : i32
    %dma_start3A = arith.constant 0 : i32
    %dma_start3A_3 = tpu.memref_slice %arg2[%mul3A_2, %dma_start3A] : memref<1024x48xi32, #tpu.memory_space<hbm>> -> memref<32x48xi32, #tpu.memory_space<hbm>>
    %dma_start3A_4 = arith.constant 0 : i32
    %dma_start3A_5 = tpu.memref_slice %arg2[%mul3A_2, %dma_start3A_4] : memref<1024x48xi32, #tpu.memory_space<hbm>> -> memref<32x48xi32, #tpu.memory_space<hbm>>
    tpu.enqueue_dma source(%dma_start3A_5 : memref<32x48xi32, #tpu.memory_space<hbm>>) target(%arg4 : memref<32x48xi32, #tpu.memory_space<vmem>>) target_semaphore(%arg6 : memref<!tpu.dma_semaphore, #tpu.memory_space<semaphore_mem>>)
    %broadcast_in_dim3A = arith.constant 0.000000e+00 : f32
    %broadcast_in_dim3A_6 = vector.broadcast %broadcast_in_dim3A : f32 to vector<16xf32>
    %parallel_loop3A = arith.constant 0 : i32
    %parallel_loop3A_7 = arith.constant 65536 : i32
    %parallel_loop3A_8 = arith.constant 16 : i32
    scf.for %parallel_loop3A_35 = %parallel_loop3A to %parallel_loop3A_7 step %parallel_loop3A_8  : i32 {
      %parallel_loop3A_36 = arith.constant 11 : i32
      %parallel_loop3A_37 = arith.shrui %parallel_loop3A_35, %parallel_loop3A_36 : i32
      %parallel_loop3A_38 = arith.constant 11 : i32
      %parallel_loop3A_39 = arith.shli %parallel_loop3A_37, %parallel_loop3A_38 : i32
      %parallel_loop3A_40 = arith.subi %parallel_loop3A_35, %parallel_loop3A_39 : i32
      %parallel_loop3A_41 = arith.index_cast %parallel_loop3A_37 : i32 to index
      %parallel_loop3A_42 = arith.index_cast %parallel_loop3A_40 : i32 to index
      %parallel_loop3A_43 = tpu.vector_load %arg5[%parallel_loop3A_41, %parallel_loop3A_42] {strides = array<i32>} : memref<32x2048xf32, #tpu.memory_space<vmem>>, vector<16xf32>,
      tpu.vector_store %arg5[%parallel_loop3A_41, %parallel_loop3A_42], %broadcast_in_dim3A_6 {strides = array<i32>} : memref<32x2048xf32, #tpu.memory_space<vmem>>, vector<16xf32>,
    } {sc.loop_unroll_factor = 8 : i64, sc.parallel_access}
    %dma_wait3A = arith.constant 0 : i32
    %dma_wait3A_9 = tpu.memref_slice %arg2[%mul3A_2, %dma_wait3A] : memref<1024x48xi32, #tpu.memory_space<hbm>> -> memref<32x48xi32, #tpu.memory_space<hbm>>
    %dma_wait3A_10 = arith.constant 0 : i32
    %dma_wait3A_11 = tpu.memref_slice %arg2[%mul3A_2, %dma_wait3A_10] : memref<1024x48xi32, #tpu.memory_space<hbm>> -> memref<32x48xi32, #tpu.memory_space<hbm>>
    tpu.wait_dma2 semaphore(%arg6 : memref<!tpu.dma_semaphore, #tpu.memory_space<semaphore_mem>>) src(%dma_wait3A_11 : memref<32x48xi32, #tpu.memory_space<hbm>>) dst(%arg4 : memref<32x48xi32, #tpu.memory_space<vmem>>)
    %iota3A = tpu.iota {dimensions = array<i32: 0>} : vector<16xi32>
    %broadcast_in_dim3A_12 = arith.constant 1.000000e+00 : f32
    %broadcast_in_dim3A_13 = vector.broadcast %broadcast_in_dim3A_12 : f32 to vector<16xf32>
    %add3A_14 = arith.constant 0 : i32
    %add3A_15 = vector.broadcast %add3A_14 : i32 to vector<16xi32>
    %add3A_16 = arith.addi %add3A_15, %iota3A : vector<16xi32>
    %add3A_17 = vector.broadcast %mul3A_2 : i32 to vector<16xi32>
    %add3A_18 = arith.addi %add3A_17, %add3A_16 : vector<16xi32>
    tpu.vector_store_idx %arg5[%add3A_16, %add3A_18], %broadcast_in_dim3A_13 {add = true} : memref<32x2048xf32, #tpu.memory_space<vmem>>[vector<16xi32>, vector<16xi32>], vector<16xf32>,
    %scan3A = arith.constant 0 : i32
    %scan3A_19 = arith.constant 0 : i32
    %scan3A_20 = arith.constant 32 : i32
    %scan3A_21 = arith.addi %scan3A_19, %scan3A_20 : i32
    %scan3A_22 = arith.constant 1 : i32
    scf.for %scan3A_35 = %scan3A_19 to %scan3A_21 step %scan3A_22  : i32 {
      %broadcast_in_dim3A_36 = vector.broadcast %scan3A_35 : i32 to vector<16xi32>
      %broadcast_in_dim3A_37 = arith.constant 32 : i32
      %broadcast_in_dim3A_38 = vector.broadcast %broadcast_in_dim3A_37 : i32 to vector<16xi32>
      %and3A = arith.constant 15 : i32
      %and3A_39 = vector.broadcast %and3A : i32 to vector<16xi32>
      %and3A_40 = arith.andi %broadcast_in_dim3A_36, %and3A_39 : vector<16xi32>
      %add3A_41 = arith.addi %broadcast_in_dim3A_38, %and3A_40 : vector<16xi32>
      %gather3A = tpu.vector_load_idx %arg4[%add3A_16, %broadcast_in_dim3A_36] : memref<32x48xi32, #tpu.memory_space<vmem>>[vector<16xi32>, vector<16xi32>], vector<16xi32>,
      %gather3A_42 = tpu.vector_load_idx %arg4[%add3A_16, %add3A_41] : memref<32x48xi32, #tpu.memory_space<vmem>>[vector<16xi32>, vector<16xi32>], vector<16xi32>,
      %bitcast3A = vector.bitcast %gather3A_42 : vector<16xi32> to vector<16xf32>
      tpu.vector_store_idx %arg5[%add3A_16, %gather3A], %bitcast3A {add = true} : memref<32x2048xf32, #tpu.memory_space<vmem>>[vector<16xi32>, vector<16xi32>], vector<16xf32>,
    }
    %scan3A_23 = arith.constant 32 : i32
    %add3A_24 = arith.constant 16 : i32
    %add3A_25 = vector.broadcast %add3A_24 : i32 to vector<16xi32>
    %add3A_26 = arith.addi %add3A_25, %iota3A : vector<16xi32>
    %add3A_27 = vector.broadcast %mul3A_2 : i32 to vector<16xi32>
    %add3A_28 = arith.addi %add3A_27, %add3A_26 : vector<16xi32>
    tpu.vector_store_idx %arg5[%add3A_26, %add3A_28], %broadcast_in_dim3A_13 {add = true} : memref<32x2048xf32, #tpu.memory_space<vmem>>[vector<16xi32>, vector<16xi32>], vector<16xf32>,
    %scan3A_29 = arith.constant 0 : i32
    %scan3A_30 = arith.constant 0 : i32
    %scan3A_31 = arith.constant 32 : i32
    %scan3A_32 = arith.addi %scan3A_30, %scan3A_31 : i32
    %scan3A_33 = arith.constant 1 : i32
    scf.for %scan3A_35 = %scan3A_30 to %scan3A_32 step %scan3A_33  : i32 {
      %broadcast_in_dim3A_36 = vector.broadcast %scan3A_35 : i32 to vector<16xi32>
      %broadcast_in_dim3A_37 = arith.constant 32 : i32
      %broadcast_in_dim3A_38 = vector.broadcast %broadcast_in_dim3A_37 : i32 to vector<16xi32>
      %and3A = arith.constant 15 : i32
      %and3A_39 = vector.broadcast %and3A : i32 to vector<16xi32>
      %and3A_40 = arith.andi %broadcast_in_dim3A_36, %and3A_39 : vector<16xi32>
      %add3A_41 = arith.addi %broadcast_in_dim3A_38, %and3A_40 : vector<16xi32>
      %gather3A = tpu.vector_load_idx %arg4[%add3A_26, %broadcast_in_dim3A_36] : memref<32x48xi32, #tpu.memory_space<vmem>>[vector<16xi32>, vector<16xi32>], vector<16xi32>,
      %gather3A_42 = tpu.vector_load_idx %arg4[%add3A_26, %add3A_41] : memref<32x48xi32, #tpu.memory_space<vmem>>[vector<16xi32>, vector<16xi32>], vector<16xi32>,
      %bitcast3A = vector.bitcast %gather3A_42 : vector<16xi32> to vector<16xf32>
      tpu.vector_store_idx %arg5[%add3A_26, %gather3A], %bitcast3A {add = true} : memref<32x2048xf32, #tpu.memory_space<vmem>>[vector<16xi32>, vector<16xi32>], vector<16xf32>,
    }
    %scan3A_34 = arith.constant 32 : i32
    "tpu.region"() ({
      %run_scoped3A = tpu.sem_alloc : memref<!tpu.dma_semaphore, #tpu.memory_space<semaphore_mem>>
      %dma_start3A_35 = arith.constant 0 : i32
      %dma_start3A_36 = arith.constant 0 : i32
      %dma_start3A_37 = tpu.memref_slice %arg3[%add3A, %dma_start3A_35, %dma_start3A_36] : memref<32x32x2048xf32, #tpu.memory_space<hbm>> -> memref<1x32x2048xf32, #tpu.memory_space<hbm>>
      %dma_start3A_38 = tpu.memref_squeeze %dma_start3A_37 : memref<1x32x2048xf32, #tpu.memory_space<hbm>> -> memref<32x2048xf32, #tpu.memory_space<hbm>>
      %dma_start3A_39 = arith.constant 0 : i32
      %dma_start3A_40 = arith.constant 0 : i32
      %dma_start3A_41 = tpu.memref_slice %arg3[%add3A, %dma_start3A_39, %dma_start3A_40] : memref<32x32x2048xf32, #tpu.memory_space<hbm>> -> memref<1x32x2048xf32, #tpu.memory_space<hbm>>
      %dma_start3A_42 = tpu.memref_squeeze %dma_start3A_41 : memref<1x32x2048xf32, #tpu.memory_space<hbm>> -> memref<32x2048xf32, #tpu.memory_space<hbm>>
      tpu.enqueue_dma source(%arg5 : memref<32x2048xf32, #tpu.memory_space<vmem>>) target(%dma_start3A_42 : memref<32x2048xf32, #tpu.memory_space<hbm>>) target_semaphore(%run_scoped3A : memref<!tpu.dma_semaphore, #tpu.memory_space<semaphore_mem>>)
      %dma_wait3A_43 = arith.constant 0 : i32
      %dma_wait3A_44 = arith.constant 0 : i32
      %dma_wait3A_45 = tpu.memref_slice %arg3[%add3A, %dma_wait3A_43, %dma_wait3A_44] : memref<32x32x2048xf32, #tpu.memory_space<hbm>> -> memref<1x32x2048xf32, #tpu.memory_space<hbm>>
      %dma_wait3A_46 = tpu.memref_squeeze %dma_wait3A_45 : memref<1x32x2048xf32, #tpu.memory_space<hbm>> -> memref<32x2048xf32, #tpu.memory_space<hbm>>
      %dma_wait3A_47 = arith.constant 0 : i32
      %dma_wait3A_48 = arith.constant 0 : i32
      %dma_wait3A_49 = tpu.memref_slice %arg3[%add3A, %dma_wait3A_47, %dma_wait3A_48] : memref<32x32x2048xf32, #tpu.memory_space<hbm>> -> memref<1x32x2048xf32, #tpu.memory_space<hbm>>
      %dma_wait3A_50 = tpu.memref_squeeze %dma_wait3A_49 : memref<1x32x2048xf32, #tpu.memory_space<hbm>> -> memref<32x2048xf32, #tpu.memory_space<hbm>>
      tpu.wait_dma2 semaphore(%run_scoped3A : memref<!tpu.dma_semaphore, #tpu.memory_space<semaphore_mem>>) src(%arg5 : memref<32x2048xf32, #tpu.memory_space<vmem>>) dst(%dma_wait3A_50 : memref<32x2048xf32, #tpu.memory_space<hbm>>)
      tpu.yield
    }) : () -> ()
    return
  }
}

module attributes {stable_mosaic.version = 14 : i64} {
  func.func @_mm_body(%arg0: i32, %arg1: memref<512x2048xbf16, #tpu.memory_space<vmem>>, %arg2: memref<1024x2048xf32, #tpu.memory_space<vmem>>, %arg3: memref<1x1024xf32, #tpu.memory_space<vmem>>, %arg4: memref<512x1024xf32, #tpu.memory_space<vmem>>) attributes {dimension_semantics = [#tpu.dimension_semantics<arbitrary>], iteration_bounds = array<i64: 4>, scalar_prefetch = 0 : i64, scratch_operands = 0 : i64, tpu.core_type = #tpu.core_type<tc>, window_params = [{transform_indices = @transform_0, window_bounds = array<i64: 512, 2048>}, {pipeline_mode = #tpu.pipeline_mode<synchronous>, transform_indices = @transform_1, window_bounds = array<i64: 1024, 2048>}, {pipeline_mode = #tpu.pipeline_mode<synchronous>, transform_indices = @transform_2, window_bounds = array<i64: 1, 1024>}, {transform_indices = @transform_3, window_bounds = array<i64: 512, 1024>}]} {
    %get3A = arith.constant 0 : index
    %get3A_0 = arith.constant 0 : index
    %get3A_1 = vector.load %arg1[%get3A, %get3A_0] : memref<512x2048xbf16, #tpu.memory_space<vmem>>, vector<512x2048xbf16>
    %get3A_2 = arith.constant 0 : index
    %get3A_3 = arith.constant 0 : index
    %get3A_4 = vector.load %arg2[%get3A_2, %get3A_3] : memref<1024x2048xf32, #tpu.memory_space<vmem>>, vector<1024x2048xf32>
    %dot_general3A = arith.constant dense<0.000000e+00> : vector<512x1024xf32>
    %dot_general3A_5 = tpu.matmul %get3A_1, %get3A_4, %dot_general3A {dimension_numbers = #tpu.dot_dimension_numbers<[1], [1], [0], [0], [0, 0, 1, 0], [], []>, transpose_lhs_hint = false} : vector<512x2048xbf16>, vector<1024x2048xf32>, vector<512x1024xf32> -> vector<512x1024xf32>
    %get3A_6 = arith.constant 0 : index
    %get3A_7 = arith.constant 0 : index
    %get3A_8 = vector.load %arg3[%get3A_6, %get3A_7] : memref<1x1024xf32, #tpu.memory_space<vmem>>, vector<1x1024xf32>
    %add3A = vector.broadcast %get3A_8 : vector<1x1024xf32> to vector<512x1024xf32>
    %add3A_9 = arith.addf %dot_general3A_5, %add3A : vector<512x1024xf32>
    %swap3A = arith.constant 0 : index
    %swap3A_10 = arith.constant 0 : index
    %swap3A_11 = vector.load %arg4[%swap3A, %swap3A_10] : memref<512x1024xf32, #tpu.memory_space<vmem>>, vector<512x1024xf32>
    tpu.vector_store %arg4[%swap3A, %swap3A_10], %add3A_9 {strides = array<i32>} : memref<512x1024xf32, #tpu.memory_space<vmem>>, vector<512x1024xf32>,
    return
  }
  func.func @transform_0(%arg0: i32) -> (i32, i32) {
    %c0_i32 = arith.constant 0 : i32
    %c0_i32_0 = arith.constant 0 : i32
    return %arg0, %c0_i32 : i32, i32
  }
  func.func @transform_1(%arg0: i32) -> (i32, i32) {
    %c0_i32 = arith.constant 0 : i32
    %c0_i32_0 = arith.constant 0 : i32
    %c0_i32_1 = arith.constant 0 : i32
    return %c0_i32, %c0_i32_0 : i32, i32
  }
  func.func @transform_2(%arg0: i32) -> (i32, i32) {
    %c0_i32 = arith.constant 0 : i32
    %c0_i32_0 = arith.constant 0 : i32
    %c0_i32_1 = arith.constant 0 : i32
    return %c0_i32, %c0_i32_0 : i32, i32
  }
  func.func @transform_3(%arg0: i32) -> (i32, i32) {
    %c0_i32 = arith.constant 0 : i32
    %c0_i32_0 = arith.constant 0 : i32
    return %arg0, %c0_i32 : i32, i32
  }
}

</mosaic_0001>

<sc_bundles>
// kernel: kernel.4.cloned.1.call-start
scs
__scs_entry_jumppad:
0x0: {  	(pc) =	sbr.rel $0x88, $3  }
0x1: {  	(tag) =	ssettag $0x0;
	lr =	simm.s32 $0x1  }
0x2: {  	[smem:$0x3F9D] =	sst lr;
	_ =	strace $0xD0000000  }
0x3: {  	_ = 	snop  }
0x4: {  	_ = 	snop  }
0x5: {  	_ = 	snop  }
0x6: {  	_ = 	snop  }
0x7: {  	_ = 	snop  }
__scs_overlays_trampoline_lowered:
0x8: {  	[smem:$0x3FAC] =	sst s0  }
0x9: {  	[smem:$0x3FAD] =	sst s1  }
0xa: {  	[smem:$0x3FAE] =	sst s2  }
0xb: {  	[smem:$0x3FAF] =	sst s3  }
0xc: {  	[smem:$0x3FB0] =	sst s4  }
0xd: {  	[smem:$0x3FB1] =	sst s5  }
0xe: {  	[smem:$0x3FB2] =	sst s6  }
0xf: {  	[smem:$0x3FB3] =	sst s7  }
0x10: {  	[smem:$0x3FB4] =	sst s8  }
0x11: {  	[smem:$0x3FB5] =	sst s9;
	s0 =	simm.s32 @!p0 $0x0  }
0x12: {  	s1 =	sld [smem:$0x3F9B];
	s0 =	simm.s32 @p0 $0x1  }
0x13: {  	[smem:$0x3FB6] =	sst s0;
	s0 =	simm.s32 @!p1 $0x0  }
0x14: {  	s2 =	sld [smem:$0x3F9A];
	s0 =	simm.s32 @p1 $0x1  }
0x15: {  	[smem:$0x3FB7] =	sst s0;
	s0 =	simm.s32 @!p2 $0x0  }
0x16: {  	s3 =	sld [smem:$0x3FDB];
	s0 =	simm.s32 @p2 $0x1  }
0x17: {  	s4 =	simm.s32 $0x1BF5;
	[smem:$0x3FB9] =	sst s0  }
0x18: {  	s0 =	sld [smem:$0x3F9C];
	_ =	swait.ge [sflag:s4], $0x0  }
0x19: {  	s7 =	sld [smem:$0x3F9D]  }
0x1a: {  	s8 =	sadd.s32 $0xFFFFE003, lr  }
0x1b: {  	s9 =	sadd.s32 $0xFFFFFEF7, lr;
	s5 =	simm.s32 $0xFFFFFFFF;
	p2 =	slt.u32 s8, $0xFFFFF086  }
0x1c: {  	p1 =	slt.u32 s9, $0xF7A;
	s5 =	simm.s32 @!p2 $0x0  }
0x1d: {  	s5 =	simm.s32 @p1 $0x1;
	p0 =	seq.s32 s7, s2  }
0x1e: {  	s7 =	smul.u32 @!p0 $0xF7A, s2;
	p2 =	seq.s32 @!p0 s5, $0x0  }
0x1f: {  	s9 =	smul.u32 $0xF7A, s1;
	s8 =	simm.s32 @!p0 $0x1BF5;
	p2 =	por !p2, p0  }
0x20: {  	[sflag:s8] =	ssyncset.s32 @!p0 $0xFFFFF086;
	s6 =	sadd.s32 @!p0 s3, s7;
	s7 =	simm.s32 @!p0 $0x108  }
0x21: {  	s3 =	sadd.s32 s3, s9;
	s6 =	sadd.s32 @!p0 $0x88, s6;
	s7 =	simm.s32 @p2 $0x1082  }
0x22: {  	[simem:s7], [sflag:s8] =	dma.local @!p0 [hbm:s6], $0xF7A  }
0x23: {  	s9 =	sor.u32 $0xD0000000, s2;
	s6 =	simm.s32 $0x108;
	_ =	swait.ge @!p0 [sflag:s8], $0x0  }
0x24: {  	s3 =	sadd.s32 $0x88, s3;
	s6 =	simm.s32 @!p1 $0x1082;
	[sflag:s4] =	ssyncset.s32 $0xFFFFF086  }
0x25: {  	[simem:s6], [sflag:s4] =	dma.local [hbm:s3], $0xF7A  }
0x26: {  	[smem:$0x3F9D] =	sst s1;
	(tag) =	ssettag s2;
	_ =	strace s9  }
0x27: {  	s1 =	sld [smem:$0x3FAD]  }
0x28: {  	s2 =	sld [smem:$0x3FAE]  }
0x29: {  	s4 =	sld [smem:$0x3FB0]  }
0x2a: {  	p0 =	seq.s32 s5, $0x0;
	s5 =	sld [smem:$0x3FB1]  }
0x2b: {  	s6 =	sld [smem:$0x3FB2]  }
0x2c: {  	s7 =	sld [smem:$0x3FB3]  }
0x2d: {  	s3 =	simm.s32 $0x108;
	s8 =	sld [smem:$0x3FB4]  }
0x2e: {  	s3 =	simm.s32 @!p0 $0x1082;
	s9 =	sld [smem:$0x3FB5]  }
0x2f: {  	lr =	sadd.s32 s0, s3;
	s0 =	sld [smem:$0x3FAC]  }
0x30: {  	s3 =	sld [smem:$0x3FAF]  }
0x31: {  	[smem:$0x3FB8] =	sst s10  }
0x32: {  	s10 =	sld [smem:$0x3FB6];
	_ =	sdelay $0x3  }
0x33: {  	p0 =	seq.s32 s10, $0x1;
	s10 =	sld [smem:$0x3FB8];
	_ =	sdelay $0x3  }
0x34: {  	[smem:$0x3FB8] =	sst s10  }
0x35: {  	s10 =	sld [smem:$0x3FB7];
	_ =	sdelay $0x3  }
0x36: {  	p1 =	seq.s32 s10, $0x1;
	s10 =	sld [smem:$0x3FB8];
	_ =	sdelay $0x3  }
0x37: {  	[smem:$0x3FB8] =	sst s10  }
0x38: {  	s10 =	sld [smem:$0x3FB9]  }
0x39: {  	_ = 	snop;
	(pc) =	sbr.ind lr, $3  }
0x3a: {  	_ = 	snop  }
0x3b: {  	_ = 	snop  }
0x3c: {  	p2 =	seq.s32 s10, $0x1;
	s10 =	sld [smem:$0x3FB8]  }
0x3d: {  	_ =	shalt  }
0x3e: {  	_ =	shalt  }
0x3f: {  	_ =	shalt  }
0x40: {  	_ =	shalt  }
0x41: {  	_ =	shalt  }
0x42: {  	_ =	shalt  }
0x43: {  	_ =	shalt  }
0x44: {  	_ =	shalt  }
0x45: {  	_ =	shalt  }
0x46: {  	_ =	shalt  }
0x47: {  	_ =	shalt  }
0x48: {  	_ =	shalt  }
0x49: {  	_ =	shalt  }
0x4a: {  	_ =	shalt  }
0x4b: {  	_ =	shalt  }
0x4c: {  	_ =	shalt  }
0x4d: {  	_ =	shalt  }
0x4e: {  	_ =	shalt  }
0x4f: {  	_ =	shalt  }
0x50: {  	_ =	shalt  }
0x51: {  	_ =	shalt  }
0x52: {  	_ =	shalt  }
0x53: {  	_ =	shalt  }
0x54: {  	_ =	shalt  }
0x55: {  	_ =	shalt  }
0x56: {  	_ =	shalt  }
0x57: {  	_ =	shalt  }
0x58: {  	_ =	shalt  }
0x59: {  	_ =	shalt  }
0x5a: {  	_ =	shalt  }
0x5b: {  	_ =	shalt  }
0x5c: {  	_ =	shalt  }
0x5d: {  	_ =	shalt  }
0x5e: {  	_ =	shalt  }
0x5f: {  	_ =	shalt  }
0x60: {  	_ =	shalt  }
0x61: {  	_ =	shalt  }
0x62: {  	_ =	shalt  }
0x63: {  	_ =	shalt  }
0x64: {  	_ =	shalt  }
0x65: {  	_ =	shalt  }
0x66: {  	_ =	shalt  }
0x67: {  	_ =	shalt  }
0x68: {  	_ =	shalt  }
0x69: {  	_ =	shalt  }
0x6a: {  	_ =	shalt  }
0x6b: {  	_ =	shalt  }
0x6c: {  	_ =	shalt  }
0x6d: {  	_ =	shalt  }
0x6e: {  	_ =	shalt  }
0x6f: {  	_ =	shalt  }
0x70: {  	_ =	shalt  }
0x71: {  	_ =	shalt  }
0x72: {  	_ =	shalt  }
0x73: {  	_ =	shalt  }
0x74: {  	_ =	shalt  }
0x75: {  	_ =	shalt  }
0x76: {  	_ =	shalt  }
0x77: {  	_ =	shalt  }
0x78: {  	_ =	shalt  }
0x79: {  	_ =	shalt  }
0x7a: {  	_ =	shalt  }
0x7b: {  	_ =	shalt  }
0x7c: {  	_ =	shalt  }
0x7d: {  	_ =	shalt  }
0x7e: {  	_ =	shalt  }
0x7f: {  	_ =	shalt  }
0x80: {  	_ =	shalt  }
0x81: {  	_ =	shalt  }
0x82: {  	_ =	shalt  }
0x83: {  	_ =	shalt  }
0x84: {  	_ =	shalt  }
0x85: {  	_ =	shalt  }
0x86: {  	_ =	shalt  }
0x87: {  	_ =	shalt  }
.Lfunc_end0:
.L_simem_size_0:
called_computation_lowered:
.L_overlay_start_0:
0x88: {  	s2 =	sld [smem:$0x3FD9]  }
0x89: {  	s3 =	sld [smem:$0x3FFE];
	_ =	sdelay $0x1  }
0x8a: {  	s1 =	srdreg.scid  }
0x8b: {  	s0 =	sand.u32 $0x1, s1  }
0x8c: {  	s17 =	sshll.u32 s0, $0xA;
	s2 =	sadd.s32 s3, s2  }
0x8d: {  	s2 =	sadd.s32 s2, s17  }
0x8e: {  	[smem:$0x3FC4] =	sst s2  }
0x8f: {  	_ = 	snop  }
0x90: {  	s2 =	sld [smem:$0x3FD0];
	(tm) =	ssettm $0x1  }
0x91: {  	s18 =	sld [smem:$0x3FFB];
	_ =	sdelay $0x3  }
0x92: {  	_ =	strace s18  }
0x93: {  	s3 =	sld [smem:$0x3FFC];
	_ =	sdelay $0x3  }
0x94: {  	_ =	strace s3  }
0x95: {  	s3 =	sld [smem:$0x3FFD];
	_ =	sdelay $0x3  }
0x96: {  	_ =	strace s3  }
0x97: {  	_ =	strace $0x8FFFFFFF  }
0x98: {  	s19 =	sld [smem:$0x3FDB];
	_ =	sdelay $0x1  }
0x99: {  	s4 =	simm.s32 $_scs_section_size  }
0x9a: {  	s5 =	simm.s32 $_size__tile_overlayer_lowered;
	s6 =	simm.s32 $_tile_overlayer_lowered  }
0x9b: {  	s22 =	simm.s32 $0x1BFF;
	s21 =	sshll.u32 s6, $0x1;
	s3 =	sadd.s32 s4, s19  }
0x9c: {  	s7 =	simm.s32 $0x0;
	s20 =	sshll.u32 s5, $0x1;
	s5 =	sadd.s32 s21, s3  }
0x9d: {  	[timem:s7], [sflag:s22] =	dma.local [hbm:s5], s20  }
0x9e: {  	_ =	swait.ge [sflag:s22], s20  }
0x9f: {  	s4 =	ssub.s32 $0x0, s20;
	[sflag:s22] =	ssyncset.done $0x0  }
0xa0: {  	[sflag:s22] =	ssyncadd.s32 s4;
	_ =	sdelay $0x1  }
0xa1: {  	s23 =	simm.s32 $0x1B8B  }
0xa2: {  	_ =	swait.ge [sflag:s23], $0x1  }
0xa3: {  	[sflag:s23] =	ssyncset.done $0x0  }
0xa4: {  	s25 =	simm.s32 $0x1B8E;
	s24 =	sld [smem:$0x3FFE];
	[sflag:s23] =	ssyncadd.s32 $0xFFFFFFFF  }
0xa5: {  	s26 =	simm.s32 $execute0_lowered;
	[smem:$0x3FD2] =	sst s25  }
0xa6: {  	s5 =	sshll.u32 s26, $0x1;
	_ =	strace $0x80000046;
	[dreg:$0x1] =	wrdreg $0xFFFFFFFF  }
0xa7: {  	s28 =	simm.s32 $_size_execute0_lowered;
	s3 =	sadd.s32 s3, s5;
	[dreg:$0x0] =	wrdreg $0x0  }
0xa8: {  	s5 =	sshll.u32 s28, $0x1;
	[dreg:$0x2] =	wrdreg s3  }
0xa9: {  	[dreg:$0x3] =	wrdreg s5  }
0xaa: {  	[dreg:$0x4] =	wrdreg $0xC0  }
0xab: {  	_ =	task [dreg:s7], $0x5FFFF  }
0xac: {  	[dreg:$0x1] =	wrdreg $0xFFFFFFFF  }
0xad: {  	[dreg:$0x0] =	wrdreg $0x60  }
0xae: {  	[dreg:$0x2] =	wrdreg s24  }
0xaf: {  	[dreg:$0x3] =	wrdreg s2  }
0xb0: {  	[dreg:$0x4] =	wrdreg $0x9  }
0xb1: {  	_ =	task.clear_ibuf [dreg:s7], $0x5FFFF;
	_ =	strace $0x90000046  }
0xb2: {  	s29 =	simm.s32 $0x9;
	_ =	strace $0x80000048  }
0xb3: {  	_ =	swait.ge [sflag:s29], $0x1  }
0xb4: {  	[sflag:s29] =	ssyncadd.s32 $0xFFFFFFFF  }
0xb5: {  	_ =	strace $0x90000048  }
0xb6: {  	_ =	sfence  }
0xb7: {  	s30 =	sld [smem:$0x0];
	_ =	sdelay $0x2  }
0xb8: {  	s31 =	sshll.u32 s1, $0xD;
	s1 =	sshrl.u32 s1, $0x2  }
0xb9: {  	s3 =	sand.u32 $0x4000, s31;
	s1 =	sadd.s32 s1, s30  }
0xba: {  	s0 =	sor.u32 s3, s0;
	s1 =	sshll.u32 s1, $0x11  }
0xbb: {  	s0 =	sor.u32 s1, s0  }
0xbc: {  	s0 =	sadd.s32 $0x8F2B, s0  }
0xbd: {  	[sflag:s0] =	ssyncadd.remote.s32 $0x1  }
0xbe: {  	_ =	sfence.sel $0xFFFF  }
0xbf: {  	[dreg:$0x0] =	wrdreg $0xFFFFFFFF;
	(pc) =	sbr.abs _section_cstart, $3  }
0xc0: {  	[dreg:$0x1] =	wrdreg $0xFFFFFFFF  }
0xc1: {  	_ =	task.clear_ibuf [dreg:s7], $0x2FFFF;
	_ =	strace $0x9FFFFFFF  }
0xc2: {  	(tm) =	ssettm $0x7FFFFFFF  }
0xc3: {  	_ =	shalt  }
tec
execute0_lowered:
.L_overlay_start_1:
0x0: {  	(tag) =	ssettag $0x1  }
0x1: {  	s1 =	srdreg.scid;
	s0 =	stileid.u32  }
0x2: {  	v3 =	vlaneseq.u32;
	v2 =	vimm.s32 $0x4380;
	vm0 =	vcmask $0x300;
	s3 =	sand.u32 $0x1, s1;
	s29 =	sshll.u32 s0, $0x1  }
0x3: {  	vm1 =	vcmask $0x704;
	vm2 =	vcmask $0xB08;
	vm3 =	vcmask $0xF0C;
	s4 =	sor.u32 s3, s29  }
0x4: {  	vm4 =	vcmask $0x1310;
	vm14 =	vcmask $0x1714;
	vm15 =	vcmask $0x1B18;
	s5 =	sshll.u32 s4, $0x5  }
0x5: {  	vm8 =	vcmask $0x1F1C;
	vm9 =	vcmask $0x2320;
	v0 =	vmov s5  }
0x6: {  	vm10 =	vcmask $0x2724;
	v2 =	vsel vm0, $0x0, v2;
	v0 =	vshll.u32 v0, $0x3  }
0x7: {  	v4 =	vand.u32 $0x7FFFFC00, v0;
	v0 =	vsel vm1, $0x80, v2;
	v2 =	vimm.s32 $0xC380  }
0x8: {  	vm11 =	vcmask $0x2B28;
	vm12 =	vcmask $0x2F2C;
	v2 =	vsel vm0, $0x8000, v2  }
0x9: {  	vm13 =	vcmask $0x3330;
	v6 =	vimm.f32 $1.000000000e+00;
	v2 =	vsel vm1, $0x8080, v2  }
0xa: {  	v5 =	vor.u32 $0x10, v3;
	v0 =	vsel vm2, $0x100, v0;
	v2 =	vsel vm2, $0x8100, v2  }
0xb: {  	v1 =	vor.u32 s5, v3;
	v0 =	vsel vm3, $0x180, v0;
	v2 =	vsel vm3, $0x8180, v2  }
0xc: {  	v5 =	vor.u32 s5, v5;
	v0 =	vsel vm4, $0x200, v0;
	v2 =	vsel vm4, $0x8200, v2  }
0xd: {  	v3 =	vmul.u32 $0x80, v3;
	v0 =	vsel vm14, $0x280, v0;
	v2 =	vsel vm14, $0x8280, v2  }
0xe: {  	v1 =	vand.u32 $0x6F, v1;
	v0 =	vsel vm15, $0x300, v0;
	v2 =	vsel vm15, $0x8300, v2  }
0xf: {  	v5 =	vand.u32 $0x7F, v5;
	v0 =	vsel vm8, $0x380, v0;
	v2 =	vsel vm8, $0x8380, v2  }
0x10: {  	s6 =	rddreg [dreg:$0x0];
	v7 =	vor.u32 $0x20, v3;
	v0 =	vsel vm9, $0x4000, v0;
	v2 =	vsel vm9, $0xC000, v2  }
0x11: {  	s7 =	rddreg [dreg:$0x1];
	v8 =	vor.u32 $0x800, v3;
	v0 =	vsel vm10, $0x4080, v0;
	v2 =	vsel vm10, $0xC080, v2  }
0x12: {  	s2 =	simm.s32 $0x0;
	s1 =	rddreg [dreg:$0x2];
	v9 =	vor.u32 $0x820, v3;
	v0 =	vsel vm11, $0x4100, v0;
	v2 =	vsel vm11, $0xC100, v2  }
0x13: {  	s9 =	simm.s32 $0x0;
	[smem:$0x7FF] =	sst s2;
	s3 =	ssub.s32 $0x2, s3;
	v1 =	vor.u32 v1, v4;
	v0 =	vsel vm12, $0x4180, v0;
	v2 =	vsel vm12, $0xC180, v2  }
0x14: {  	_ =	strace $0x80000047;
	s8 =	sshll.u32 s4, $0x9;
	s31 =	sshrl.u32 s3, $0x1;
	vm14 =	vcmask $0x3734;
	v0 =	vsel vm13, $0x4200, v0;
	v2 =	vsel vm13, $0xC200, v2  }
0x15: {  	s4 =	sshll.u32 s4, $0xD;
	s30 =	sadd.s32 s8, s6;
	s6 =	ssub.s32 s3, s31;
	vm15 =	vcmask $0x3B38;
	v0 =	vsel vm14, $0x4280, v0;
	v2 =	vsel vm14, $0xC280, v2  }
0x16: {  	s4 =	sadd.s32 s7, s4;
	s7 =	simm.s32 $0x1000;
	s8 =	simm.s32 $0x2;
	v4 =	vor.u32 v5, v4;
	v0 =	vsel vm15, $0x4300, v0;
	v2 =	vsel vm15, $0xC300, v2  }
0x17: {  	s3 =	sadd.s32 $0x1800, s30;
	s5 =	smax.u32 s6, $0x1;
	s6 =	simm.s32 $0x1;
	v5 =	vimm.f32 $0.0e+00;
	v1 =	vadd.s32 v0, v1;
	v4 =	vadd.s32 v2, v4  }
.LBB2_1:
0x18: {  	[tilespmem:s2], [sflag:$0x1] =	stream.linear.gather [hbm4b:s3+s2], $0x1000, $0x38;
	[tilespmem:$0x11000] =	vst v63  }
0x19: {  	s10 =	simm.s32 $0x0  }
0x1a: {  	s12 =	sand.u32 $0x3C00, s2;
	s11 =	sand.u32 $0xC000, s10  }
0x1b: {  	s13 =	sand.u32 $0x380, s2;
	s11 =	sor.u32 s12, s11  }
0x1c: {  	s11 =	sor.u32 s13, s11  }
0x1d: {  	[tilespmem:s11+$0x1070] =	vst v5  }
0x1e: {  	[tilespmem:s11+$0x1000] =	vst v5  }
0x1f: {  	[tilespmem:s11+$0x1010] =	vst v5  }
0x20: {  	s12 =	simm.s32 $0x0;
	s13 =	simm.s32 $0x0;
	[tilespmem:s11+$0x1020] =	vst v5  }
.LBB2_2:
0x21: {  	s10 =	sadd.s32 $0x80, s10;
	[tilespmem:s11+$0x1030] =	vst v5;
	s12 =	sadd.s32 $0x400, s12  }
0x22: {  	s13 =	sadd.s32 $0x8, s13;
	s14 =	sand.u32 $0xC000, s10;
	s15 =	sand.u32 $0x3C00, s12;
	[tilespmem:s11+$0x1040] =	vst v5  }
0x23: {  	s16 =	sand.u32 $0x380, s13;
	p0 =	slt.u32 s10, $0xFF80;
	s14 =	sor.u32 s15, s14;
	[tilespmem:s11+$0x1050] =	vst v5  }
.Ltmp0:
0x24: {  	[tilespmem:s11+$0x1060] =	vst v5;
	s11 =	sor.u32 s16, s14;
	(pc) =	sbr.rel @p0 .LBB2_2-.Ltmp0, $4  }
0x25: {  	[tilespmem:s11+$0x1070] =	vst v5  }
0x26: {  	[tilespmem:s11+$0x1000] =	vst v5  }
0x27: {  	[tilespmem:s11+$0x1010] =	vst v5  }
0x28: {  	[tilespmem:s11+$0x1020] =	vst v5  }
0x29: {  	[tilespmem:s11+$0x1030] =	vst v5  }
0x2a: {  	[tilespmem:s11+$0x1040] =	vst v5  }
0x2b: {  	[tilespmem:s11+$0x1050] =	vst v5;
	s10 =	simm.s32 $0x0  }
0x2c: {  	[tilespmem:s11+$0x1060] =	vst v5;
	v10 =	vor.u32 s10, v3  }
0x2d: {  	_ =	swait.ge [sflag:s6], $0x1000  }
0x2e: {  	[sflag:s6] =	ssyncset.done $0x0  }
0x2f: {  	[sflag:s6] =	ssyncadd.s32 $0xFFFFF000  }
0x30: {  	[tilespmem:v1+s7+$0x0] =	vst.idx.add.f32.msk $0xffff, v6  }
0x31: {  	v10 =	vld.idx.msk [tilespmem:v10+s2+$0x0], $0xffff  }
0x32: {  	v11 =	vmov s10  }
0x33: {  	v11 =	vand.u32 $0xF, v11  }
0x34: {  	v11 =	vor.u32 v7, v11;
	_ =	sdelay $0x1  }
0x35: {  	v12 =	vshll.u32 v10, $0x3  }
0x36: {  	v10 =	vand.u32 $0x7F, v10;
	v12 =	vand.u32 $0xFFFFFC00, v12  }
0x37: {  	v12 =	vor.u32 v10, v12  }
0x38: {  	s10 =	simm.s32 $0x1;
	v10 =	vld.idx.msk [tilespmem:v11+s2+$0x0], $0xffff;
	v11 =	vadd.s32 v0, v12  }
0x39: {  	s11 =	simm.s32 $0x2;
	v12 =	vor.u32 s10, v3  }
.LBB2_4:
0x3a: {  	p0 =	sne.s32 s11, $0x1F;
	_ =	sdelay $0x2  }
0x3b: {  	[tilespmem:v11+s7+$0x0] =	vst.idx.add.f32.msk $0xffff, v10  }
0x3c: {  	v10 =	vld.idx.msk [tilespmem:v12+s2+$0x0], $0xffff  }
0x3d: {  	v11 =	vmov s10;
	s10 =	smov.u32 s11  }
0x3e: {  	v11 =	vand.u32 $0xF, v11  }
0x3f: {  	v11 =	vor.u32 v7, v11;
	_ =	sdelay $0x2  }
.Ltmp1:
0x40: {  	v12 =	vshll.u32 v10, $0x3;
	(pc) =	sbr.rel @p0 .LBB2_4-.Ltmp1, $4  }
0x41: {  	v13 =	vand.u32 $0x7F, v10;
	v12 =	vand.u32 $0xFFFFFC00, v12  }
0x42: {  	v10 =	vld.idx.msk [tilespmem:v11+s2+$0x0], $0xffff;
	v11 =	vor.u32 v13, v12  }
0x43: {  	v11 =	vadd.s32 v0, v11  }
0x44: {  	s11 =	sadd.s32 $0x1, s11;
	v12 =	vor.u32 s10, v3  }
0x45: {  	_ =	sdelay $0x3  }
0x46: {  	[tilespmem:v11+s7+$0x0] =	vst.idx.add.f32.msk $0xffff, v10  }
0x47: {  	v10 =	vld.idx.msk [tilespmem:v12+s2+$0x0], $0xffff  }
0x48: {  	v11 =	vmov s10  }
0x49: {  	v11 =	vand.u32 $0xF, v11  }
0x4a: {  	v11 =	vor.u32 v7, v11;
	_ =	sdelay $0x1  }
0x4b: {  	v12 =	vshll.u32 v10, $0x3  }
0x4c: {  	v10 =	vand.u32 $0x7F, v10;
	v12 =	vand.u32 $0xFFFFFC00, v12  }
0x4d: {  	v10 =	vor.u32 v10, v12  }
0x4e: {  	v11 =	vld.idx.msk [tilespmem:v11+s2+$0x0], $0xffff;
	v10 =	vadd.s32 v0, v10  }
0x4f: {  	s31 =	simm.s32 $0x0  }
0x50: {  	v12 =	vor.u32 s31, v8;
	_ =	sdelay $0x2  }
0x51: {  	[tilespmem:v10+s7+$0x0] =	vst.idx.add.f32.msk $0xffff, v11  }
0x52: {  	[tilespmem:v4+s7+$0x0] =	vst.idx.add.f32.msk $0xffff, v6  }
0x53: {  	v10 =	vld.idx.msk [tilespmem:v12+s2+$0x0], $0xffff  }
0x54: {  	v11 =	vmov s31  }
0x55: {  	v11 =	vand.u32 $0xF, v11  }
0x56: {  	v11 =	vor.u32 v9, v11;
	_ =	sdelay $0x1  }
0x57: {  	v12 =	vshll.u32 v10, $0x3  }
0x58: {  	v10 =	vand.u32 $0x7F, v10;
	v12 =	vand.u32 $0xFFFFFC00, v12  }
0x59: {  	v12 =	vor.u32 v10, v12  }
0x5a: {  	s10 =	simm.s32 $0x1;
	v10 =	vld.idx.msk [tilespmem:v11+s2+$0x0], $0xffff;
	v11 =	vadd.s32 v2, v12  }
0x5b: {  	s11 =	simm.s32 $0x2;
	v12 =	vor.u32 s10, v8  }
.LBB2_6:
0x5c: {  	p0 =	sne.s32 s11, $0x1F;
	_ =	sdelay $0x2  }
0x5d: {  	[tilespmem:v11+s7+$0x0] =	vst.idx.add.f32.msk $0xffff, v10  }
0x5e: {  	v10 =	vld.idx.msk [tilespmem:v12+s2+$0x0], $0xffff  }
0x5f: {  	v11 =	vmov s10;
	s10 =	smov.u32 s11  }
0x60: {  	v11 =	vand.u32 $0xF, v11  }
0x61: {  	v11 =	vor.u32 v9, v11;
	_ =	sdelay $0x2  }
.Ltmp2:
0x62: {  	v12 =	vshll.u32 v10, $0x3;
	(pc) =	sbr.rel @p0 .LBB2_6-.Ltmp2, $4  }
0x63: {  	v13 =	vand.u32 $0x7F, v10;
	v12 =	vand.u32 $0xFFFFFC00, v12  }
0x64: {  	v10 =	vld.idx.msk [tilespmem:v11+s2+$0x0], $0xffff;
	v11 =	vor.u32 v13, v12  }
0x65: {  	v11 =	vadd.s32 v2, v11  }
0x66: {  	s11 =	sadd.s32 $0x1, s11;
	v12 =	vor.u32 s10, v8  }
0x67: {  	_ =	sdelay $0x3  }
0x68: {  	[tilespmem:v11+s7+$0x0] =	vst.idx.add.f32.msk $0xffff, v10  }
0x69: {  	v10 =	vld.idx.msk [tilespmem:v12+s2+$0x0], $0xffff  }
0x6a: {  	v11 =	vmov s10  }
0x6b: {  	v11 =	vand.u32 $0xF, v11  }
0x6c: {  	v11 =	vor.u32 v9, v11;
	_ =	sdelay $0x1  }
0x6d: {  	v12 =	vshll.u32 v10, $0x3  }
0x6e: {  	v10 =	vand.u32 $0x7F, v10;
	v12 =	vand.u32 $0xFFFFFC00, v12  }
0x6f: {  	v10 =	vor.u32 v10, v12  }
0x70: {  	v11 =	vld.idx.msk [tilespmem:v11+s2+$0x0], $0xffff;
	v10 =	vadd.s32 v2, v10;
	_ =	sdelay $0x2  }
0x71: {  	s9 =	sadd.s32 $0x1, s9  }
0x72: {  	p0 =	sne.s32 s9, s5  }
.Ltmp3:
0x73: {  	[tilespmem:v10+s7+$0x0] =	vst.idx.add.f32.msk $0xffff, v11;
	(pc) =	sbr.rel @p0 .LBB2_1-.Ltmp3, $4  }
0x74: {  	[hbm4b:s4+s2] =	stream.linear.scatter [tilespmem:s7], [sflag:$0x2], $0x10000, $0x38;
	[tilespmem:$0x11000] =	vst v63  }
0x75: {  	_ =	swait.ge [sflag:s8], $0x10000  }
0x76: {  	[sflag:s8] =	ssyncset.done $0x0  }
0x77: {  	[sflag:s8] =	ssyncadd.s32 $0xFFFF0000  }
0x78: {  	_ =	sfence.sel $0x180000  }
0x79: {  	[bflag:$0x0] =	sbarrier.arrive $0xFFFF  }
0x7a: {  	p0 =	sne.s32 s0, $0x0;
	_ =	strace $0x90000047  }
0x7b: {  	s0 =	sadd.s32 @!p0 $0x100000, s1;
	[bflag:$0x2] =	sbarrier.arrive $0xFFFF  }
0x7c: {  	[sflag:s0] =	ssyncadd.tile.s32 @!p0 $0x1;
	_ =	shalt  }
.Lfunc_end2:
_tile_overlayer_lowered:
.L_overlay_start_2:
0x7d: {  	(tag) =	ssettag $0x2  }
0x7e: {  	s0 =	rddreg [dreg:$0x0];
	s2 =	stileid.u32  }
0x7f: {  	s1 =	rddreg [dreg:$0x1];
	p0 =	sne.s32 s2, $0x0  }
0x80: {  	s3 =	rddreg [dreg:$0x2];
	[bflag:$0x3] =	sbarrier.arrive $0xFFFF;
	s2 =	simm.s32 @!p0 $0x1C02  }
0x81: {  	[timem:s3], [sflag:s2] =	dma.local @!p0 [hbm:s0], s1  }
0x82: {  	s0 =	simm.s32 @!p0 $0x2  }
0x83: {  	_ =	swait.ge @!p0 [sflag:s0], s1  }
0x84: {  	s1 =	ssub.s32 @!p0 $0x0, s1;
	[sflag:s0] =	ssyncset.done @!p0 $0x0  }
0x85: {  	[sflag:s0] =	ssyncadd.s32 @!p0 s1  }
0x86: {  	[bflag:$0x3] =	sbarrier.arrive $0xFFFF  }
0x87: {  	_ =	shalt  }

</sc_bundles>
